<compile_context>
chip_gen: v7x
topology: tpu7x:2x2x1
jax: 0.10.2.dev20260603
libtpu: 0.0.44.dev20260713+nightly
codegen_flags: <defaults>
</compile_context>

<pallas_src>
import functools

import jax
import jax.numpy as jnp
from jax import lax
from jax.experimental import pallas as pl
from jax.experimental.pallas import tpu as pltpu
from jax.experimental.pallas import tpu_sc as plsc

VOCAB = 1000000
HIDDEN = 64
NUM_IDS = 4096 * 200

NC = 2
NS = 16
NW = NC * NS
B_PER_W = NUM_IDS // NW

G = 128
K = 4
CHUNK = G * K
N_CHUNKS = B_PER_W // CHUNK
NBUF = 2

TB = 32768
T_GRID = (VOCAB + TB - 1) // TB


def _detile_block(src_ref, out_ref):
    t = src_ref[...].T
    out_ref[...] = jnp.concatenate([t, t], axis=1)


_detile = pl.pallas_call(
    _detile_block,
    grid=(T_GRID,),
    in_specs=[pl.BlockSpec((HIDDEN, TB), lambda g: (0, g))],
    out_specs=pl.BlockSpec((TB, 128), lambda g: (g, 0)),
    out_shape=jax.ShapeDtypeStruct((VOCAB, 128), jnp.float32),
    compiler_params=pltpu.CompilerParams(vmem_limit_bytes=100 * 1024 * 1024),
)


def _make_gather():
    mesh = plsc.VectorSubcoreMesh(core_axis_name="c", subcore_axis_name="s")

    @functools.partial(
        pl.kernel,
        mesh=mesh,
        out_type=jax.ShapeDtypeStruct((NUM_IDS, 128), jnp.float32),
        scratch_types=[
            pltpu.VMEM((B_PER_W,), jnp.int32),
            pltpu.VMEM((NBUF * CHUNK, HIDDEN), jnp.float32),
            pltpu.SemaphoreType.DMA,
        ],
        compiler_params=pltpu.CompilerParams(use_tc_tiling_on_sc=False),
    )
    def gather_kernel(idx_hbm, table_hbm, out_hbm, idx_v, rows_v, gsem):
        wid = lax.axis_index("s") * NC + lax.axis_index("c")
        base = wid * B_PER_W

        pltpu.sync_copy(idx_hbm.at[pl.ds(base, B_PER_W)], idx_v)

        def fire(i, slot):
            voff = slot * CHUNK
            for j in range(K):
                pltpu.async_copy(
                    table_hbm.at[idx_v.at[pl.ds(i * CHUNK + j * G, G)]],
                    rows_v.at[pl.ds(voff + j * G, G)],
                    gsem,
                )

        def drain_and_store(i, slot):
            off = base + i * CHUNK
            voff = slot * CHUNK
            for j in range(K):
                pltpu.make_async_copy(
                    table_hbm.at[idx_v.at[pl.ds(i * CHUNK + j * G, G)]],
                    rows_v.at[pl.ds(voff + j * G, G)],
                    gsem,
                ).wait()
            pltpu.sync_copy(rows_v.at[pl.ds(voff, CHUNK)],
                            out_hbm.at[pl.ds(off, CHUNK), pl.ds(0, HIDDEN)])

        fire(0, 0)

        def body(i, _):
            @pl.when(i + 1 < N_CHUNKS)
            def _():
                fire(i + 1, lax.rem(i + 1, NBUF))

            drain_and_store(i, lax.rem(i, NBUF))
            return 0

        lax.fori_loop(0, N_CHUNKS, body, 0)

    return gather_kernel


_gather = _make_gather()


def kernel(input_ids, emb):
    idx = input_ids.reshape(-1).astype(jnp.int32) * 2
    table_lin = _detile(emb.T).reshape(2 * VOCAB, HIDDEN)
    h = _gather(idx, table_lin)
    h = h[:, :HIDDEN].reshape(input_ids.shape + (HIDDEN,))
    return (h, h)

# --- scband reference (transcript-rebuilt; emitter-appended) ---
"""Pipeline reference for scband-stub-with-lm-head-44770739094040 (READ-ONLY COPY).

The authoritative reference and input builder live on the scoring server;
editing this copy changes nothing except your own understanding.
"""

import jax, jax.numpy as jnp
import numpy as np

VOCAB = 1000000
HIDDEN = 64

def setup_inputs(seed: int = 0) -> dict:
    key = jax.random.key(seed)
    k_idx, k_emb = jax.random.split(key)
    input_ids = jax.random.randint(k_idx, (4096, 200), 0, VOCAB, dtype=jnp.int64)
    emb = jax.random.normal(k_emb, (VOCAB, HIDDEN), dtype=jnp.float32)
    return {"input_ids": input_ids, "emb": emb}

def reference(input_ids, emb):
    # h = self.emb(input_ids); out.hidden_states = [h, h]
    h = jnp.take(emb, input_ids, axis=0)
    return (h, h)

if __name__ == "__main__":
    import jax
    _d = setup_inputs()
    print(jax.jit(kernel)(*tuple(_d.values())))

</pallas_src>

<mosaic_0001>
#map = affine_map<(d0, d1) -> (0)>
#map1 = affine_map<(d0, d1) -> (0, 0)>
module attributes {stable_mosaic.version = 14 : i64} {
  func.func @gather_kernel(%arg0: i32, %arg1: i32, %arg2: memref<819200xi32, #tpu.memory_space<hbm>>, %arg3: memref<2000000x64xf32, #tpu.memory_space<hbm>>, %arg4: memref<819200x128xf32, #tpu.memory_space<hbm>>, %arg5: memref<25600xi32, #tpu.memory_space<vmem>>, %arg6: memref<1024x64xf32, #tpu.memory_space<vmem>>, %arg7: memref<!tpu.dma_semaphore, #tpu.memory_space<semaphore_mem>>) attributes {dimension_semantics = [#tpu.dimension_semantics<core_parallel>, #tpu.dimension_semantics<subcore_parallel>], iteration_bounds = array<i64: 2, 16>, scalar_prefetch = 0 : i64, scratch_operands = 3 : i64, tpu.core_type = #tpu.core_type<sc_vector_subcore>, window_params = [{transform_indices = #map}, {transform_indices = #map1}, {transform_indices = #map1}]} {
    %mul3A = arith.constant 2 : i32
    %mul3A_0 = arith.muli %arg1, %mul3A : i32
    %add3A = arith.addi %mul3A_0, %arg0 : i32
    %mul3A_1 = arith.constant 25600 : i32
    %mul3A_2 = arith.muli %add3A, %mul3A_1 : i32
    "tpu.region"() ({
      %run_scoped3A = tpu.sem_alloc : memref<!tpu.dma_semaphore, #tpu.memory_space<semaphore_mem>>
      %dma_start3A_40 = tpu.memref_slice %arg2[%mul3A_2] : memref<819200xi32, #tpu.memory_space<hbm>> -> memref<25600xi32, #tpu.memory_space<hbm>>
      %dma_start3A_41 = tpu.memref_slice %arg2[%mul3A_2] : memref<819200xi32, #tpu.memory_space<hbm>> -> memref<25600xi32, #tpu.memory_space<hbm>>
      tpu.enqueue_dma source(%dma_start3A_41 : memref<25600xi32, #tpu.memory_space<hbm>>) target(%arg5 : memref<25600xi32, #tpu.memory_space<vmem>>) target_semaphore(%run_scoped3A : memref<!tpu.dma_semaphore, #tpu.memory_space<semaphore_mem>>)
      %dma_wait3A = tpu.memref_slice %arg2[%mul3A_2] : memref<819200xi32, #tpu.memory_space<hbm>> -> memref<25600xi32, #tpu.memory_space<hbm>>
      %dma_wait3A_42 = tpu.memref_slice %arg2[%mul3A_2] : memref<819200xi32, #tpu.memory_space<hbm>> -> memref<25600xi32, #tpu.memory_space<hbm>>
      tpu.wait_dma2 semaphore(%run_scoped3A : memref<!tpu.dma_semaphore, #tpu.memory_space<semaphore_mem>>) src(%dma_wait3A_42 : memref<25600xi32, #tpu.memory_space<hbm>>) dst(%arg5 : memref<25600xi32, #tpu.memory_space<vmem>>)
      tpu.yield
    }) : () -> ()
    %dma_start3A = arith.constant 0 : i32
    %dma_start3A_3 = arith.constant 0 : i32
    %dma_start3A_4 = tpu.memref_slice %arg6[%dma_start3A, %dma_start3A_3] : memref<1024x64xf32, #tpu.memory_space<vmem>> -> memref<128x64xf32, #tpu.memory_space<vmem>>
    %dma_start3A_5 = arith.constant 0 : i32
    %dma_start3A_6 = tpu.memref_slice %arg5[%dma_start3A_5] : memref<25600xi32, #tpu.memory_space<vmem>> -> memref<128xi32, #tpu.memory_space<vmem>>
    %dma_start3A_7 = arith.constant 0 : i32
    %dma_start3A_8 = arith.constant 0 : i32
    %dma_start3A_9 = tpu.memref_slice %arg3[%dma_start3A_7, %dma_start3A_8] : memref<2000000x64xf32, #tpu.memory_space<hbm>> -> memref<2000000x64xf32, #tpu.memory_space<hbm>>
    tpu.enqueue_indirect_dma source(%dma_start3A_9 : memref<2000000x64xf32, #tpu.memory_space<hbm>>) target(%dma_start3A_4 : memref<128x64xf32, #tpu.memory_space<vmem>>) offsets(%dma_start3A_6 : memref<128xi32, #tpu.memory_space<vmem>>) semaphore(%arg7 : memref<!tpu.dma_semaphore, #tpu.memory_space<semaphore_mem>>)
    %dma_start3A_10 = arith.constant 128 : i32
    %dma_start3A_11 = arith.constant 0 : i32
    %dma_start3A_12 = tpu.memref_slice %arg6[%dma_start3A_10, %dma_start3A_11] : memref<1024x64xf32, #tpu.memory_space<vmem>> -> memref<128x64xf32, #tpu.memory_space<vmem>>
    %dma_start3A_13 = arith.constant 128 : i32
    %dma_start3A_14 = tpu.memref_slice %arg5[%dma_start3A_13] : memref<25600xi32, #tpu.memory_space<vmem>> -> memref<128xi32, #tpu.memory_space<vmem>>
    %dma_start3A_15 = arith.constant 0 : i32
    %dma_start3A_16 = arith.constant 0 : i32
    %dma_start3A_17 = tpu.memref_slice %arg3[%dma_start3A_15, %dma_start3A_16] : memref<2000000x64xf32, #tpu.memory_space<hbm>> -> memref<2000000x64xf32, #tpu.memory_space<hbm>>
    tpu.enqueue_indirect_dma source(%dma_start3A_17 : memref<2000000x64xf32, #tpu.memory_space<hbm>>) target(%dma_start3A_12 : memref<128x64xf32, #tpu.memory_space<vmem>>) offsets(%dma_start3A_14 : memref<128xi32, #tpu.memory_space<vmem>>) semaphore(%arg7 : memref<!tpu.dma_semaphore, #tpu.memory_space<semaphore_mem>>)
    %dma_start3A_18 = arith.constant 256 : i32
    %dma_start3A_19 = arith.constant 0 : i32
    %dma_start3A_20 = tpu.memref_slice %arg6[%dma_start3A_18, %dma_start3A_19] : memref<1024x64xf32, #tpu.memory_space<vmem>> -> memref<128x64xf32, #tpu.memory_space<vmem>>
    %dma_start3A_21 = arith.constant 256 : i32
    %dma_start3A_22 = tpu.memref_slice %arg5[%dma_start3A_21] : memref<25600xi32, #tpu.memory_space<vmem>> -> memref<128xi32, #tpu.memory_space<vmem>>
    %dma_start3A_23 = arith.constant 0 : i32
    %dma_start3A_24 = arith.constant 0 : i32
    %dma_start3A_25 = tpu.memref_slice %arg3[%dma_start3A_23, %dma_start3A_24] : memref<2000000x64xf32, #tpu.memory_space<hbm>> -> memref<2000000x64xf32, #tpu.memory_space<hbm>>
    tpu.enqueue_indirect_dma source(%dma_start3A_25 : memref<2000000x64xf32, #tpu.memory_space<hbm>>) target(%dma_start3A_20 : memref<128x64xf32, #tpu.memory_space<vmem>>) offsets(%dma_start3A_22 : memref<128xi32, #tpu.memory_space<vmem>>) semaphore(%arg7 : memref<!tpu.dma_semaphore, #tpu.memory_space<semaphore_mem>>)
    %dma_start3A_26 = arith.constant 384 : i32
    %dma_start3A_27 = arith.constant 0 : i32
    %dma_start3A_28 = tpu.memref_slice %arg6[%dma_start3A_26, %dma_start3A_27] : memref<1024x64xf32, #tpu.memory_space<vmem>> -> memref<128x64xf32, #tpu.memory_space<vmem>>
    %dma_start3A_29 = arith.constant 384 : i32
    %dma_start3A_30 = tpu.memref_slice %arg5[%dma_start3A_29] : memref<25600xi32, #tpu.memory_space<vmem>> -> memref<128xi32, #tpu.memory_space<vmem>>
    %dma_start3A_31 = arith.constant 0 : i32
    %dma_start3A_32 = arith.constant 0 : i32
    %dma_start3A_33 = tpu.memref_slice %arg3[%dma_start3A_31, %dma_start3A_32] : memref<2000000x64xf32, #tpu.memory_space<hbm>> -> memref<2000000x64xf32, #tpu.memory_space<hbm>>
    tpu.enqueue_indirect_dma source(%dma_start3A_33 : memref<2000000x64xf32, #tpu.memory_space<hbm>>) target(%dma_start3A_28 : memref<128x64xf32, #tpu.memory_space<vmem>>) offsets(%dma_start3A_30 : memref<128xi32, #tpu.memory_space<vmem>>) semaphore(%arg7 : memref<!tpu.dma_semaphore, #tpu.memory_space<semaphore_mem>>)
    %scan3A = arith.constant 0 : i32
    %scan3A_34 = arith.constant 0 : i32
    %scan3A_35 = arith.constant 50 : i32
    %scan3A_36 = arith.addi %scan3A_34, %scan3A_35 : i32
    %scan3A_37 = arith.constant 1 : i32
    %scan3A_38 = scf.for %scan3A_40 = %scan3A_34 to %scan3A_36 step %scan3A_37 iter_args(%scan3A_41 = %scan3A) -> (i32)  : i32 {
      %add3A_42 = arith.constant 1 : i32
      %add3A_43 = arith.addi %scan3A_40, %add3A_42 : i32
      %lt3A = arith.constant 50 : i32
      %lt3A_44 = arith.cmpi slt, %add3A_43, %lt3A : i32
      %convert_element_type3A = arith.extui %lt3A_44 : i1 to i32
      %cond3A = arith.constant 0 : i32
      %cond3A_45 = arith.cmpi ne, %convert_element_type3A, %cond3A : i32
      scf.if %cond3A_45 {
        %add3A_100 = arith.constant 1 : i32
        %add3A_101 = arith.addi %scan3A_40, %add3A_100 : i32
        %add3A_102 = arith.constant 1 : i32
        %add3A_103 = arith.addi %scan3A_40, %add3A_102 : i32
        %rem3A_104 = arith.constant 2 : i32
        %rem3A_105 = arith.remsi %add3A_103, %rem3A_104 : i32
        %mul3A_106 = arith.constant 512 : i32
        %mul3A_107 = arith.muli %rem3A_105, %mul3A_106 : i32
        %mul3A_108 = arith.constant 512 : i32
        %mul3A_109 = arith.muli %add3A_101, %mul3A_108 : i32
        %add3A_110 = arith.constant 0 : i32
        %add3A_111 = arith.addi %mul3A_109, %add3A_110 : i32
        %add3A_112 = arith.constant 0 : i32
        %add3A_113 = arith.addi %mul3A_107, %add3A_112 : i32
        %dma_start3A_114 = arith.constant 0 : i32
        %dma_start3A_115 = tpu.memref_slice %arg6[%add3A_113, %dma_start3A_114] : memref<1024x64xf32, #tpu.memory_space<vmem>> -> memref<128x64xf32, #tpu.memory_space<vmem>>
        %dma_start3A_116 = tpu.memref_slice %arg5[%add3A_111] : memref<25600xi32, #tpu.memory_space<vmem>> -> memref<128xi32, #tpu.memory_space<vmem>>
        %dma_start3A_117 = arith.constant 0 : i32
        %dma_start3A_118 = arith.constant 0 : i32
        %dma_start3A_119 = tpu.memref_slice %arg3[%dma_start3A_117, %dma_start3A_118] : memref<2000000x64xf32, #tpu.memory_space<hbm>> -> memref<2000000x64xf32, #tpu.memory_space<hbm>>
        tpu.enqueue_indirect_dma source(%dma_start3A_119 : memref<2000000x64xf32, #tpu.memory_space<hbm>>) target(%dma_start3A_115 : memref<128x64xf32, #tpu.memory_space<vmem>>) offsets(%dma_start3A_116 : memref<128xi32, #tpu.memory_space<vmem>>) semaphore(%arg7 : memref<!tpu.dma_semaphore, #tpu.memory_space<semaphore_mem>>)
        %mul3A_120 = arith.constant 512 : i32
        %mul3A_121 = arith.muli %add3A_101, %mul3A_120 : i32
        %add3A_122 = arith.constant 128 : i32
        %add3A_123 = arith.addi %mul3A_121, %add3A_122 : i32
        %add3A_124 = arith.constant 128 : i32
        %add3A_125 = arith.addi %mul3A_107, %add3A_124 : i32
        %dma_start3A_126 = arith.constant 0 : i32
        %dma_start3A_127 = tpu.memref_slice %arg6[%add3A_125, %dma_start3A_126] : memref<1024x64xf32, #tpu.memory_space<vmem>> -> memref<128x64xf32, #tpu.memory_space<vmem>>
        %dma_start3A_128 = tpu.memref_slice %arg5[%add3A_123] : memref<25600xi32, #tpu.memory_space<vmem>> -> memref<128xi32, #tpu.memory_space<vmem>>
        %dma_start3A_129 = arith.constant 0 : i32
        %dma_start3A_130 = arith.constant 0 : i32
        %dma_start3A_131 = tpu.memref_slice %arg3[%dma_start3A_129, %dma_start3A_130] : memref<2000000x64xf32, #tpu.memory_space<hbm>> -> memref<2000000x64xf32, #tpu.memory_space<hbm>>
        tpu.enqueue_indirect_dma source(%dma_start3A_131 : memref<2000000x64xf32, #tpu.memory_space<hbm>>) target(%dma_start3A_127 : memref<128x64xf32, #tpu.memory_space<vmem>>) offsets(%dma_start3A_128 : memref<128xi32, #tpu.memory_space<vmem>>) semaphore(%arg7 : memref<!tpu.dma_semaphore, #tpu.memory_space<semaphore_mem>>)
        %mul3A_132 = arith.constant 512 : i32
        %mul3A_133 = arith.muli %add3A_101, %mul3A_132 : i32
        %add3A_134 = arith.constant 256 : i32
        %add3A_135 = arith.addi %mul3A_133, %add3A_134 : i32
        %add3A_136 = arith.constant 256 : i32
        %add3A_137 = arith.addi %mul3A_107, %add3A_136 : i32
        %dma_start3A_138 = arith.constant 0 : i32
        %dma_start3A_139 = tpu.memref_slice %arg6[%add3A_137, %dma_start3A_138] : memref<1024x64xf32, #tpu.memory_space<vmem>> -> memref<128x64xf32, #tpu.memory_space<vmem>>
        %dma_start3A_140 = tpu.memref_slice %arg5[%add3A_135] : memref<25600xi32, #tpu.memory_space<vmem>> -> memref<128xi32, #tpu.memory_space<vmem>>
        %dma_start3A_141 = arith.constant 0 : i32
        %dma_start3A_142 = arith.constant 0 : i32
        %dma_start3A_143 = tpu.memref_slice %arg3[%dma_start3A_141, %dma_start3A_142] : memref<2000000x64xf32, #tpu.memory_space<hbm>> -> memref<2000000x64xf32, #tpu.memory_space<hbm>>
        tpu.enqueue_indirect_dma source(%dma_start3A_143 : memref<2000000x64xf32, #tpu.memory_space<hbm>>) target(%dma_start3A_139 : memref<128x64xf32, #tpu.memory_space<vmem>>) offsets(%dma_start3A_140 : memref<128xi32, #tpu.memory_space<vmem>>) semaphore(%arg7 : memref<!tpu.dma_semaphore, #tpu.memory_space<semaphore_mem>>)
        %mul3A_144 = arith.constant 512 : i32
        %mul3A_145 = arith.muli %add3A_101, %mul3A_144 : i32
        %add3A_146 = arith.constant 384 : i32
        %add3A_147 = arith.addi %mul3A_145, %add3A_146 : i32
        %add3A_148 = arith.constant 384 : i32
        %add3A_149 = arith.addi %mul3A_107, %add3A_148 : i32
        %dma_start3A_150 = arith.constant 0 : i32
        %dma_start3A_151 = tpu.memref_slice %arg6[%add3A_149, %dma_start3A_150] : memref<1024x64xf32, #tpu.memory_space<vmem>> -> memref<128x64xf32, #tpu.memory_space<vmem>>
        %dma_start3A_152 = tpu.memref_slice %arg5[%add3A_147] : memref<25600xi32, #tpu.memory_space<vmem>> -> memref<128xi32, #tpu.memory_space<vmem>>
        %dma_start3A_153 = arith.constant 0 : i32
        %dma_start3A_154 = arith.constant 0 : i32
        %dma_start3A_155 = tpu.memref_slice %arg3[%dma_start3A_153, %dma_start3A_154] : memref<2000000x64xf32, #tpu.memory_space<hbm>> -> memref<2000000x64xf32, #tpu.memory_space<hbm>>
        tpu.enqueue_indirect_dma source(%dma_start3A_155 : memref<2000000x64xf32, #tpu.memory_space<hbm>>) target(%dma_start3A_151 : memref<128x64xf32, #tpu.memory_space<vmem>>) offsets(%dma_start3A_152 : memref<128xi32, #tpu.memory_space<vmem>>) semaphore(%arg7 : memref<!tpu.dma_semaphore, #tpu.memory_space<semaphore_mem>>)
      } else {
      }
      %rem3A = arith.constant 2 : i32
      %rem3A_46 = arith.remsi %scan3A_40, %rem3A : i32
      %mul3A_47 = arith.constant 512 : i32
      %mul3A_48 = arith.muli %scan3A_40, %mul3A_47 : i32
      %add3A_49 = arith.addi %mul3A_2, %mul3A_48 : i32
      %mul3A_50 = arith.constant 512 : i32
      %mul3A_51 = arith.muli %rem3A_46, %mul3A_50 : i32
      %mul3A_52 = arith.constant 512 : i32
      %mul3A_53 = arith.muli %scan3A_40, %mul3A_52 : i32
      %add3A_54 = arith.constant 0 : i32
      %add3A_55 = arith.addi %mul3A_53, %add3A_54 : i32
      %add3A_56 = arith.constant 0 : i32
      %add3A_57 = arith.addi %mul3A_51, %add3A_56 : i32
      %dma_wait3A = arith.constant 0 : i32
      %dma_wait3A_58 = tpu.memref_slice %arg6[%add3A_57, %dma_wait3A] : memref<1024x64xf32, #tpu.memory_space<vmem>> -> memref<128x64xf32, #tpu.memory_space<vmem>>
      %dma_wait3A_59 = tpu.memref_slice %arg5[%add3A_55] : memref<25600xi32, #tpu.memory_space<vmem>> -> memref<128xi32, #tpu.memory_space<vmem>>
      %dma_wait3A_60 = arith.constant 0 : i32
      %dma_wait3A_61 = arith.constant 0 : i32
      %dma_wait3A_62 = tpu.memref_slice %arg3[%dma_wait3A_60, %dma_wait3A_61] : memref<2000000x64xf32, #tpu.memory_space<hbm>> -> memref<2000000x64xf32, #tpu.memory_space<hbm>>
      tpu.wait_indirect_dma semaphore(%arg7 : memref<!tpu.dma_semaphore, #tpu.memory_space<semaphore_mem>>) src(%dma_wait3A_62 : memref<2000000x64xf32, #tpu.memory_space<hbm>>) dst(%dma_wait3A_58 : memref<128x64xf32, #tpu.memory_space<vmem>>)
      %mul3A_63 = arith.constant 512 : i32
      %mul3A_64 = arith.muli %scan3A_40, %mul3A_63 : i32
      %add3A_65 = arith.constant 128 : i32
      %add3A_66 = arith.addi %mul3A_64, %add3A_65 : i32
      %add3A_67 = arith.constant 128 : i32
      %add3A_68 = arith.addi %mul3A_51, %add3A_67 : i32
      %dma_wait3A_69 = arith.constant 0 : i32
      %dma_wait3A_70 = tpu.memref_slice %arg6[%add3A_68, %dma_wait3A_69] : memref<1024x64xf32, #tpu.memory_space<vmem>> -> memref<128x64xf32, #tpu.memory_space<vmem>>
      %dma_wait3A_71 = tpu.memref_slice %arg5[%add3A_66] : memref<25600xi32, #tpu.memory_space<vmem>> -> memref<128xi32, #tpu.memory_space<vmem>>
      %dma_wait3A_72 = arith.constant 0 : i32
      %dma_wait3A_73 = arith.constant 0 : i32
      %dma_wait3A_74 = tpu.memref_slice %arg3[%dma_wait3A_72, %dma_wait3A_73] : memref<2000000x64xf32, #tpu.memory_space<hbm>> -> memref<2000000x64xf32, #tpu.memory_space<hbm>>
      tpu.wait_indirect_dma semaphore(%arg7 : memref<!tpu.dma_semaphore, #tpu.memory_space<semaphore_mem>>) src(%dma_wait3A_74 : memref<2000000x64xf32, #tpu.memory_space<hbm>>) dst(%dma_wait3A_70 : memref<128x64xf32, #tpu.memory_space<vmem>>)
      %mul3A_75 = arith.constant 512 : i32
      %mul3A_76 = arith.muli %scan3A_40, %mul3A_75 : i32
      %add3A_77 = arith.constant 256 : i32
      %add3A_78 = arith.addi %mul3A_76, %add3A_77 : i32
      %add3A_79 = arith.constant 256 : i32
      %add3A_80 = arith.addi %mul3A_51, %add3A_79 : i32
      %dma_wait3A_81 = arith.constant 0 : i32
      %dma_wait3A_82 = tpu.memref_slice %arg6[%add3A_80, %dma_wait3A_81] : memref<1024x64xf32, #tpu.memory_space<vmem>> -> memref<128x64xf32, #tpu.memory_space<vmem>>
      %dma_wait3A_83 = tpu.memref_slice %arg5[%add3A_78] : memref<25600xi32, #tpu.memory_space<vmem>> -> memref<128xi32, #tpu.memory_space<vmem>>
      %dma_wait3A_84 = arith.constant 0 : i32
      %dma_wait3A_85 = arith.constant 0 : i32
      %dma_wait3A_86 = tpu.memref_slice %arg3[%dma_wait3A_84, %dma_wait3A_85] : memref<2000000x64xf32, #tpu.memory_space<hbm>> -> memref<2000000x64xf32, #tpu.memory_space<hbm>>
      tpu.wait_indirect_dma semaphore(%arg7 : memref<!tpu.dma_semaphore, #tpu.memory_space<semaphore_mem>>) src(%dma_wait3A_86 : memref<2000000x64xf32, #tpu.memory_space<hbm>>) dst(%dma_wait3A_82 : memref<128x64xf32, #tpu.memory_space<vmem>>)
      %mul3A_87 = arith.constant 512 : i32
      %mul3A_88 = arith.muli %scan3A_40, %mul3A_87 : i32
      %add3A_89 = arith.constant 384 : i32
      %add3A_90 = arith.addi %mul3A_88, %add3A_89 : i32
      %add3A_91 = arith.constant 384 : i32
      %add3A_92 = arith.addi %mul3A_51, %add3A_91 : i32
      %dma_wait3A_93 = arith.constant 0 : i32
      %dma_wait3A_94 = tpu.memref_slice %arg6[%add3A_92, %dma_wait3A_93] : memref<1024x64xf32, #tpu.memory_space<vmem>> -> memref<128x64xf32, #tpu.memory_space<vmem>>
      %dma_wait3A_95 = tpu.memref_slice %arg5[%add3A_90] : memref<25600xi32, #tpu.memory_space<vmem>> -> memref<128xi32, #tpu.memory_space<vmem>>
      %dma_wait3A_96 = arith.constant 0 : i32
      %dma_wait3A_97 = arith.constant 0 : i32
      %dma_wait3A_98 = tpu.memref_slice %arg3[%dma_wait3A_96, %dma_wait3A_97] : memref<2000000x64xf32, #tpu.memory_space<hbm>> -> memref<2000000x64xf32, #tpu.memory_space<hbm>>
      tpu.wait_indirect_dma semaphore(%arg7 : memref<!tpu.dma_semaphore, #tpu.memory_space<semaphore_mem>>) src(%dma_wait3A_98 : memref<2000000x64xf32, #tpu.memory_space<hbm>>) dst(%dma_wait3A_94 : memref<128x64xf32, #tpu.memory_space<vmem>>)
      "tpu.region"() ({
        %run_scoped3A = tpu.sem_alloc : memref<!tpu.dma_semaphore, #tpu.memory_space<semaphore_mem>>
        %dma_start3A_100 = arith.constant 0 : i32
        %dma_start3A_101 = tpu.memref_slice %arg6[%mul3A_51, %dma_start3A_100] : memref<1024x64xf32, #tpu.memory_space<vmem>> -> memref<512x64xf32, #tpu.memory_space<vmem>>
        %dma_start3A_102 = arith.constant 0 : i32
        %dma_start3A_103 = tpu.memref_slice %arg4[%add3A_49, %dma_start3A_102] : memref<819200x128xf32, #tpu.memory_space<hbm>> -> memref<512x64xf32, #tpu.memory_space<hbm>>
        %dma_start3A_104 = arith.constant 0 : i32
        %dma_start3A_105 = tpu.memref_slice %arg4[%add3A_49, %dma_start3A_104] : memref<819200x128xf32, #tpu.memory_space<hbm>> -> memref<512x64xf32, #tpu.memory_space<hbm>>
        %dma_start3A_106 = arith.constant 0 : i32
        %dma_start3A_107 = tpu.memref_slice %arg6[%mul3A_51, %dma_start3A_106] : memref<1024x64xf32, #tpu.memory_space<vmem>> -> memref<512x64xf32, #tpu.memory_space<vmem>>
        tpu.enqueue_dma source(%dma_start3A_107 : memref<512x64xf32, #tpu.memory_space<vmem>>) target(%dma_start3A_105 : memref<512x64xf32, #tpu.memory_space<hbm>>) target_semaphore(%run_scoped3A : memref<!tpu.dma_semaphore, #tpu.memory_space<semaphore_mem>>)
        %dma_wait3A_108 = arith.constant 0 : i32
        %dma_wait3A_109 = tpu.memref_slice %arg6[%mul3A_51, %dma_wait3A_108] : memref<1024x64xf32, #tpu.memory_space<vmem>> -> memref<512x64xf32, #tpu.memory_space<vmem>>
        %dma_wait3A_110 = arith.constant 0 : i32
        %dma_wait3A_111 = tpu.memref_slice %arg4[%add3A_49, %dma_wait3A_110] : memref<819200x128xf32, #tpu.memory_space<hbm>> -> memref<512x64xf32, #tpu.memory_space<hbm>>
        %dma_wait3A_112 = arith.constant 0 : i32
        %dma_wait3A_113 = tpu.memref_slice %arg4[%add3A_49, %dma_wait3A_112] : memref<819200x128xf32, #tpu.memory_space<hbm>> -> memref<512x64xf32, #tpu.memory_space<hbm>>
        %dma_wait3A_114 = arith.constant 0 : i32
        %dma_wait3A_115 = tpu.memref_slice %arg6[%mul3A_51, %dma_wait3A_114] : memref<1024x64xf32, #tpu.memory_space<vmem>> -> memref<512x64xf32, #tpu.memory_space<vmem>>
        tpu.wait_dma2 semaphore(%run_scoped3A : memref<!tpu.dma_semaphore, #tpu.memory_space<semaphore_mem>>) src(%dma_wait3A_115 : memref<512x64xf32, #tpu.memory_space<vmem>>) dst(%dma_wait3A_113 : memref<512x64xf32, #tpu.memory_space<hbm>>)
        tpu.yield
      }) : () -> ()
      %scan3A_99 = arith.constant 0 : i32
      scf.yield %scan3A_99 : i32
    }
    %scan3A_39 = arith.constant 50 : i32
    return
  }
}

module attributes {stable_mosaic.version = 14 : i64} {
  func.func @_detile_block(%arg0: i32, %arg1: memref<64x32768xf32, #tpu.memory_space<vmem>>, %arg2: memref<32768x128xf32, #tpu.memory_space<vmem>>) attributes {dimension_semantics = [#tpu.dimension_semantics<arbitrary>], iteration_bounds = array<i64: 31>, scalar_prefetch = 0 : i64, scratch_operands = 0 : i64, tpu.core_type = #tpu.core_type<tc>, window_params = [{transform_indices = @transform_0, window_bounds = array<i64: 64, 32768>}, {transform_indices = @transform_1, window_bounds = array<i64: 32768, 128>}]} {
    %get3A = arith.constant 0 : index
    %get3A_0 = arith.constant 0 : index
    %get3A_1 = vector.load %arg1[%get3A, %get3A_0] : memref<64x32768xf32, #tpu.memory_space<vmem>>, vector<64x32768xf32>
    %transpose3A = tpu.transpose %get3A_1, [1, 0] : vector<64x32768xf32> -> vector<32768x64xf32>
    %concatenate3A = tpu.concatenate %transpose3A, %transpose3A in 1 : vector<32768x64xf32>, vector<32768x64xf32> -> vector<32768x128xf32>
    %swap3A = arith.constant 0 : index
    %swap3A_2 = arith.constant 0 : index
    %swap3A_3 = vector.load %arg2[%swap3A, %swap3A_2] : memref<32768x128xf32, #tpu.memory_space<vmem>>, vector<32768x128xf32>
    tpu.vector_store %arg2[%swap3A, %swap3A_2], %concatenate3A {strides = array<i32>} : memref<32768x128xf32, #tpu.memory_space<vmem>>, vector<32768x128xf32>,
    return
  }
  func.func @transform_0(%arg0: i32) -> (i32, i32) {
    %c0_i32 = arith.constant 0 : i32
    %c0_i32_0 = arith.constant 0 : i32
    return %c0_i32, %arg0 : i32, i32
  }
  func.func @transform_1(%arg0: i32) -> (i32, i32) {
    %c0_i32 = arith.constant 0 : i32
    %c0_i32_0 = arith.constant 0 : i32
    return %arg0, %c0_i32 : i32, i32
  }
}

</mosaic_0001>

<sc_bundles>
// kernel: kernel.4.cloned.1.call-start
scs
__scs_entry_jumppad:
0x0: {  	(pc) =	sbr.rel $0x88, $3  }
0x1: {  	(tag) =	ssettag $0x0;
	lr =	simm.s32 $0x1  }
0x2: {  	[smem:$0x3F9F] =	sst lr;
	_ =	strace $0xD0000000  }
0x3: {  	_ = 	snop  }
0x4: {  	_ = 	snop  }
0x5: {  	_ = 	snop  }
0x6: {  	_ = 	snop  }
0x7: {  	_ = 	snop  }
__scs_overlays_trampoline_lowered:
0x8: {  	[smem:$0x3FAE] =	sst s0  }
0x9: {  	[smem:$0x3FAF] =	sst s1  }
0xa: {  	[smem:$0x3FB0] =	sst s2  }
0xb: {  	[smem:$0x3FB1] =	sst s3  }
0xc: {  	[smem:$0x3FB2] =	sst s4  }
0xd: {  	[smem:$0x3FB3] =	sst s5  }
0xe: {  	[smem:$0x3FB4] =	sst s6  }
0xf: {  	[smem:$0x3FB5] =	sst s7  }
0x10: {  	[smem:$0x3FB6] =	sst s8  }
0x11: {  	[smem:$0x3FB7] =	sst s9;
	s0 =	simm.s32 @!p0 $0x0  }
0x12: {  	s1 =	sld [smem:$0x3F9D];
	s0 =	simm.s32 @p0 $0x1  }
0x13: {  	[smem:$0x3FB8] =	sst s0;
	s0 =	simm.s32 @!p1 $0x0  }
0x14: {  	s2 =	sld [smem:$0x3F9C];
	s0 =	simm.s32 @p1 $0x1  }
0x15: {  	[smem:$0x3FB9] =	sst s0;
	s0 =	simm.s32 @!p2 $0x0  }
0x16: {  	s3 =	sld [smem:$0x3FDB];
	s0 =	simm.s32 @p2 $0x1  }
0x17: {  	s4 =	simm.s32 $0x1BF5;
	[smem:$0x3FBB] =	sst s0  }
0x18: {  	s0 =	sld [smem:$0x3F9E];
	_ =	swait.ge [sflag:s4], $0x0  }
0x19: {  	s7 =	sld [smem:$0x3F9F]  }
0x1a: {  	s8 =	sadd.s32 $0xFFFFE003, lr  }
0x1b: {  	s9 =	sadd.s32 $0xFFFFFEF7, lr;
	s5 =	simm.s32 $0xFFFFFFFF;
	p2 =	slt.u32 s8, $0xFFFFF086  }
0x1c: {  	p1 =	slt.u32 s9, $0xF7A;
	s5 =	simm.s32 @!p2 $0x0  }
0x1d: {  	s5 =	simm.s32 @p1 $0x1;
	p0 =	seq.s32 s7, s2  }
0x1e: {  	s7 =	smul.u32 @!p0 $0xF7A, s2;
	p2 =	seq.s32 @!p0 s5, $0x0  }
0x1f: {  	s9 =	smul.u32 $0xF7A, s1;
	s8 =	simm.s32 @!p0 $0x1BF5;
	p2 =	por !p2, p0  }
0x20: {  	[sflag:s8] =	ssyncset.s32 @!p0 $0xFFFFF086;
	s6 =	sadd.s32 @!p0 s3, s7;
	s7 =	simm.s32 @!p0 $0x108  }
0x21: {  	s3 =	sadd.s32 s3, s9;
	s6 =	sadd.s32 @!p0 $0x88, s6;
	s7 =	simm.s32 @p2 $0x1082  }
0x22: {  	[simem:s7], [sflag:s8] =	dma.local @!p0 [hbm:s6], $0xF7A  }
0x23: {  	s9 =	sor.u32 $0xD0000000, s2;
	s6 =	simm.s32 $0x108;
	_ =	swait.ge @!p0 [sflag:s8], $0x0  }
0x24: {  	s3 =	sadd.s32 $0x88, s3;
	s6 =	simm.s32 @!p1 $0x1082;
	[sflag:s4] =	ssyncset.s32 $0xFFFFF086  }
0x25: {  	[simem:s6], [sflag:s4] =	dma.local [hbm:s3], $0xF7A  }
0x26: {  	[smem:$0x3F9F] =	sst s1;
	(tag) =	ssettag s2;
	_ =	strace s9  }
0x27: {  	s1 =	sld [smem:$0x3FAF]  }
0x28: {  	s2 =	sld [smem:$0x3FB0]  }
0x29: {  	s4 =	sld [smem:$0x3FB2]  }
0x2a: {  	p0 =	seq.s32 s5, $0x0;
	s5 =	sld [smem:$0x3FB3]  }
0x2b: {  	s6 =	sld [smem:$0x3FB4]  }
0x2c: {  	s7 =	sld [smem:$0x3FB5]  }
0x2d: {  	s3 =	simm.s32 $0x108;
	s8 =	sld [smem:$0x3FB6]  }
0x2e: {  	s3 =	simm.s32 @!p0 $0x1082;
	s9 =	sld [smem:$0x3FB7]  }
0x2f: {  	lr =	sadd.s32 s0, s3;
	s0 =	sld [smem:$0x3FAE]  }
0x30: {  	s3 =	sld [smem:$0x3FB1]  }
0x31: {  	[smem:$0x3FBA] =	sst s10  }
0x32: {  	s10 =	sld [smem:$0x3FB8];
	_ =	sdelay $0x3  }
0x33: {  	p0 =	seq.s32 s10, $0x1;
	s10 =	sld [smem:$0x3FBA];
	_ =	sdelay $0x3  }
0x34: {  	[smem:$0x3FBA] =	sst s10  }
0x35: {  	s10 =	sld [smem:$0x3FB9];
	_ =	sdelay $0x3  }
0x36: {  	p1 =	seq.s32 s10, $0x1;
	s10 =	sld [smem:$0x3FBA];
	_ =	sdelay $0x3  }
0x37: {  	[smem:$0x3FBA] =	sst s10  }
0x38: {  	s10 =	sld [smem:$0x3FBB]  }
0x39: {  	_ = 	snop;
	(pc) =	sbr.ind lr, $3  }
0x3a: {  	_ = 	snop  }
0x3b: {  	_ = 	snop  }
0x3c: {  	p2 =	seq.s32 s10, $0x1;
	s10 =	sld [smem:$0x3FBA]  }
0x3d: {  	_ =	shalt  }
0x3e: {  	_ =	shalt  }
0x3f: {  	_ =	shalt  }
0x40: {  	_ =	shalt  }
0x41: {  	_ =	shalt  }
0x42: {  	_ =	shalt  }
0x43: {  	_ =	shalt  }
0x44: {  	_ =	shalt  }
0x45: {  	_ =	shalt  }
0x46: {  	_ =	shalt  }
0x47: {  	_ =	shalt  }
0x48: {  	_ =	shalt  }
0x49: {  	_ =	shalt  }
0x4a: {  	_ =	shalt  }
0x4b: {  	_ =	shalt  }
0x4c: {  	_ =	shalt  }
0x4d: {  	_ =	shalt  }
0x4e: {  	_ =	shalt  }
0x4f: {  	_ =	shalt  }
0x50: {  	_ =	shalt  }
0x51: {  	_ =	shalt  }
0x52: {  	_ =	shalt  }
0x53: {  	_ =	shalt  }
0x54: {  	_ =	shalt  }
0x55: {  	_ =	shalt  }
0x56: {  	_ =	shalt  }
0x57: {  	_ =	shalt  }
0x58: {  	_ =	shalt  }
0x59: {  	_ =	shalt  }
0x5a: {  	_ =	shalt  }
0x5b: {  	_ =	shalt  }
0x5c: {  	_ =	shalt  }
0x5d: {  	_ =	shalt  }
0x5e: {  	_ =	shalt  }
0x5f: {  	_ =	shalt  }
0x60: {  	_ =	shalt  }
0x61: {  	_ =	shalt  }
0x62: {  	_ =	shalt  }
0x63: {  	_ =	shalt  }
0x64: {  	_ =	shalt  }
0x65: {  	_ =	shalt  }
0x66: {  	_ =	shalt  }
0x67: {  	_ =	shalt  }
0x68: {  	_ =	shalt  }
0x69: {  	_ =	shalt  }
0x6a: {  	_ =	shalt  }
0x6b: {  	_ =	shalt  }
0x6c: {  	_ =	shalt  }
0x6d: {  	_ =	shalt  }
0x6e: {  	_ =	shalt  }
0x6f: {  	_ =	shalt  }
0x70: {  	_ =	shalt  }
0x71: {  	_ =	shalt  }
0x72: {  	_ =	shalt  }
0x73: {  	_ =	shalt  }
0x74: {  	_ =	shalt  }
0x75: {  	_ =	shalt  }
0x76: {  	_ =	shalt  }
0x77: {  	_ =	shalt  }
0x78: {  	_ =	shalt  }
0x79: {  	_ =	shalt  }
0x7a: {  	_ =	shalt  }
0x7b: {  	_ =	shalt  }
0x7c: {  	_ =	shalt  }
0x7d: {  	_ =	shalt  }
0x7e: {  	_ =	shalt  }
0x7f: {  	_ =	shalt  }
0x80: {  	_ =	shalt  }
0x81: {  	_ =	shalt  }
0x82: {  	_ =	shalt  }
0x83: {  	_ =	shalt  }
0x84: {  	_ =	shalt  }
0x85: {  	_ =	shalt  }
0x86: {  	_ =	shalt  }
0x87: {  	_ =	shalt  }
.Lfunc_end0:
.L_simem_size_0:
called_computation.1_lowered:
.L_overlay_start_0:
0x88: {  	s2 =	sld [smem:$0x3FD9]  }
0x89: {  	s3 =	sld [smem:$0x3FFE];
	_ =	sdelay $0x1  }
0x8a: {  	s1 =	srdreg.scid  }
0x8b: {  	s0 =	sand.u32 $0x1, s1  }
0x8c: {  	s14 =	sshll.u32 s0, $0xA;
	s2 =	sadd.s32 s3, s2  }
0x8d: {  	s2 =	sadd.s32 s2, s14  }
0x8e: {  	[smem:$0x3FC6] =	sst s2  }
0x8f: {  	_ = 	snop  }
0x90: {  	s2 =	sld [smem:$0x3FD0];
	_ =	sdelay $0x2  }
0x91: {  	s15 =	simm.s32 $0xA;
	s4 =	simm.s32 $0x10  }
0x92: {  	[smem:s4], [sflag:s15] =	dma.local [hbm:s2], $0x1  }
0x93: {  	_ =	swait.eq [sflag:s15], $0x1  }
0x94: {  	[sflag:s15] =	ssyncset.done $0x0  }
0x95: {  	[sflag:s15] =	ssyncadd.s32 $0xFFFFFFFF  }
0x96: {  	s16 =	sld [smem:$0x10];
	(tm) =	ssettm $0x1  }
0x97: {  	s17 =	sld [smem:$0x3FFB];
	_ =	sdelay $0x3  }
0x98: {  	_ =	strace s17  }
0x99: {  	s3 =	sld [smem:$0x3FFC];
	_ =	sdelay $0x3  }
0x9a: {  	_ =	strace s3  }
0x9b: {  	s3 =	sld [smem:$0x3FFD];
	_ =	sdelay $0x3  }
0x9c: {  	_ =	strace s3  }
0x9d: {  	_ =	strace $0x8FFFFFFF  }
0x9e: {  	s18 =	sld [smem:$0x3FDB];
	_ =	sdelay $0x1  }
0x9f: {  	s19 =	simm.s32 $_scs_section_size  }
0xa0: {  	s5 =	simm.s32 $_size__tile_overlayer_lowered;
	s6 =	simm.s32 $_tile_overlayer_lowered  }
0xa1: {  	s22 =	simm.s32 $0x1BFF;
	s21 =	sshll.u32 s6, $0x1;
	s3 =	sadd.s32 s19, s18  }
0xa2: {  	s7 =	simm.s32 $0x0;
	s20 =	sshll.u32 s5, $0x1;
	s5 =	sadd.s32 s21, s3  }
0xa3: {  	[timem:s7], [sflag:s22] =	dma.local [hbm:s5], s20  }
0xa4: {  	_ =	swait.ge [sflag:s22], s20  }
0xa5: {  	s4 =	ssub.s32 $0x0, s20;
	[sflag:s22] =	ssyncset.done $0x0  }
0xa6: {  	[sflag:s22] =	ssyncadd.s32 s4;
	_ =	sdelay $0x1  }
0xa7: {  	s23 =	simm.s32 $0x1B8B  }
0xa8: {  	_ =	swait.ge [sflag:s23], $0x1  }
0xa9: {  	[sflag:s23] =	ssyncset.done $0x0  }
0xaa: {  	s25 =	simm.s32 $0x1B8E;
	s24 =	sld [smem:$0x3FFE];
	[sflag:s23] =	ssyncadd.s32 $0xFFFFFFFF  }
0xab: {  	s26 =	simm.s32 $execute0_lowered;
	[smem:$0x3FD2] =	sst s25  }
0xac: {  	s5 =	sshll.u32 s26, $0x1;
	_ =	strace $0x80000046;
	[dreg:$0x1] =	wrdreg $0xFFFFFFFF  }
0xad: {  	s28 =	simm.s32 $_size_execute0_lowered;
	s3 =	sadd.s32 s3, s5;
	[dreg:$0x0] =	wrdreg $0x0  }
0xae: {  	s5 =	sshll.u32 s28, $0x1;
	[dreg:$0x2] =	wrdreg s3  }
0xaf: {  	[dreg:$0x3] =	wrdreg s5  }
0xb0: {  	[dreg:$0x4] =	wrdreg $0xC0  }
0xb1: {  	_ =	task [dreg:s7], $0x5FFFF  }
0xb2: {  	[dreg:$0x1] =	wrdreg $0xFFFFFFFF  }
0xb3: {  	[dreg:$0x0] =	wrdreg $0x60  }
0xb4: {  	[dreg:$0x2] =	wrdreg s16  }
0xb5: {  	[dreg:$0x3] =	wrdreg s24  }
0xb6: {  	[dreg:$0x4] =	wrdreg $0x9  }
0xb7: {  	_ =	task.clear_ibuf [dreg:s7], $0x5FFFF;
	_ =	strace $0x90000046  }
0xb8: {  	s29 =	simm.s32 $0x9;
	_ =	strace $0x80000048  }
0xb9: {  	_ =	swait.ge [sflag:s29], $0x1  }
0xba: {  	[sflag:s29] =	ssyncadd.s32 $0xFFFFFFFF  }
0xbb: {  	_ =	strace $0x90000048  }
0xbc: {  	_ =	sfence  }
0xbd: {  	s30 =	sld [smem:$0x0];
	_ =	sdelay $0x2  }
0xbe: {  	s31 =	sshll.u32 s1, $0xD;
	s1 =	sshrl.u32 s1, $0x2  }
0xbf: {  	s3 =	sand.u32 $0x4000, s31;
	s1 =	sadd.s32 s1, s30  }
0xc0: {  	s0 =	sor.u32 s3, s0;
	s1 =	sshll.u32 s1, $0x11  }
0xc1: {  	s0 =	sor.u32 s1, s0  }
0xc2: {  	s0 =	sadd.s32 $0x8F2B, s0  }
0xc3: {  	[sflag:s0] =	ssyncadd.remote.s32 $0x1  }
0xc4: {  	_ =	sfence.sel $0xFFFF  }
0xc5: {  	[dreg:$0x0] =	wrdreg $0xFFFFFFFF;
	(pc) =	sbr.abs _section_cstart, $3  }
0xc6: {  	[dreg:$0x1] =	wrdreg $0xFFFFFFFF  }
0xc7: {  	_ =	task.clear_ibuf [dreg:s7], $0x2FFFF;
	_ =	strace $0x9FFFFFFF  }
0xc8: {  	(tm) =	ssettm $0x7FFFFFFF  }
0xc9: {  	_ =	shalt  }
tec
execute0_lowered:
.L_overlay_start_1:
0x0: {  	(tag) =	ssettag $0x1  }
0x1: {  	s4 =	rddreg [dreg:$0x0];
	s1 =	srdreg.scid  }
0x2: {  	s0 =	stileid.u32;
	s5 =	rddreg [dreg:$0x1]  }
0x3: {  	s2 =	simm.s32 $0x0;
	s12 =	simm.s32 $0x100;
	s13 =	simm.s32 $0xA400  }
0x4: {  	s14 =	simm.s32 $0x180;
	s15 =	simm.s32 $0xC400;
	s16 =	simm.s32 $0x1  }
0x5: {  	s17 =	simm.s32 $0x40;
	s18 =	simm.s32 $0xE400;
	s19 =	simm.s32 $0x0  }
0x6: {  	s6 =	sand.u32 $0x1, s1;
	s3 =	sshll.u32 s0, $0x1;
	s1 =	rddreg [dreg:$0x2]  }
0x7: {  	[smem:$0x7FF] =	sst s2;
	s9 =	smul.u32 $0x640000, s0;
	s11 =	sadd.s32 $0xF42C00, s5  }
0x8: {  	s7 =	sor.u32 s6, s3;
	s10 =	ssub.s32 $0x2, s6;
	s6 =	smul.u32 $0x320000, s6  }
0x9: {  	_ =	strace $0x80000047;
	s8 =	smul.u32 $0x320000, s7;
	s29 =	sshrl.u32 s10, $0x1  }
0xa: {  	s3 =	sadd.s32 $0x800, s5;
	s7 =	smul.u32 $0xC80, s7;
	s5 =	ssub.s32 s10, s29  }
0xb: {  	s6 =	sadd.s32 s6, s9;
	s9 =	simm.s32 $0x80;
	s10 =	simm.s32 $0x6400  }
0xc: {  	s8 =	sshrl.u32 s8, $0x3;
	s4 =	sadd.s32 s4, s7;
	s31 =	sshrl.u32 s6, $0x3  }
0xd: {  	s5 =	smax.u32 s5, $0x1;
	s30 =	sadd.s32 s11, s8;
	s7 =	sadd.s32 s31, s11  }
0xe: {  	s8 =	simm.s32 $0x2;
	s11 =	simm.s32 $0x8400;
	s6 =	sadd.s32 $0x62000, s30  }
.LBB2_1:
0xf: {  	[tilespmem:s2], [sflag:$0x2] =	stream.linear.gather [hbm4b:s4+s2], $0x6400, $0x38;
	[tilespmem:$0x16400] =	vst v63  }
0x10: {  	_ =	swait.ge [sflag:s8], $0x6400  }
0x11: {  	[sflag:s8] =	ssyncset.done $0x0  }
0x12: {  	[sflag:s8] =	ssyncadd.s32 $0xFFFF9C00  }
0x13: {  	[tilespmem:s10], [sflag:$0x1] =	stream.indirect.gather [hbm4b:s3+s9], $0x40, s2, s9, $0xb8;
	[tilespmem:$0x16400] =	vst v63  }
0x14: {  	_ = 	snop  }
0x15: {  	[tilespmem:s11], [sflag:$0x1] =	stream.indirect.gather [hbm4b:s3+s9], $0x40, s9, s9, $0xb8;
	[tilespmem:$0x16400] =	vst v63  }
0x16: {  	s20 =	simm.s32 $0x8000  }
0x17: {  	[tilespmem:s13], [sflag:$0x1] =	stream.indirect.gather [hbm4b:s3+s9], $0x40, s12, s9, $0xb8;
	[tilespmem:$0x16400] =	vst v63  }
0x18: {  	s20 =	sand.u32 $0x8000, s20  }
0x19: {  	[tilespmem:s15], [sflag:$0x1] =	stream.indirect.gather [hbm4b:s3+s9], $0x40, s14, s9, $0xb8;
	[tilespmem:$0x16400] =	vst v63  }
0x1a: {  	s22 =	simm.s32 $0x200;
	s21 =	sor.u32 $0x6400, s20  }
0x1b: {  	[tilespmem:s21], [sflag:$0x1] =	stream.indirect.gather [hbm4b:s3+s9], $0x40, s22, s9, $0xb8;
	[tilespmem:$0x16400] =	vst v63  }
0x1c: {  	s25 =	simm.s32 $0x280;
	s24 =	sadd.s32 $0x8400, s20  }
0x1d: {  	[tilespmem:s24], [sflag:$0x1] =	stream.indirect.gather [hbm4b:s3+s9], $0x40, s25, s9, $0xb8;
	[tilespmem:$0x16400] =	vst v63  }
0x1e: {  	s28 =	simm.s32 $0x300;
	s26 =	sadd.s32 $0xA400, s20  }
0x1f: {  	[tilespmem:s26], [sflag:$0x1] =	stream.indirect.gather [hbm4b:s3+s9], $0x40, s28, s9, $0xb8;
	[tilespmem:$0x16400] =	vst v63  }
0x20: {  	s29 =	simm.s32 $0x380;
	s20 =	sadd.s32 $0xC400, s20  }
0x21: {  	[tilespmem:s20], [sflag:$0x1] =	stream.indirect.gather [hbm4b:s3+s9], $0x40, s29, s9, $0xb8;
	[tilespmem:$0x16400] =	vst v63  }
0x22: {  	_ =	swait.ge [sflag:s16], $0x2000  }
0x23: {  	[sflag:s16] =	ssyncset.done $0x0  }
0x24: {  	[sflag:s16] =	ssyncadd.s32 $0xFFFFE000  }
0x25: {  	_ =	swait.ge [sflag:s16], $0x2000  }
0x26: {  	[sflag:s16] =	ssyncset.done $0x0  }
0x27: {  	[sflag:s16] =	ssyncadd.s32 $0xFFFFE000  }
0x28: {  	_ =	swait.ge [sflag:s16], $0x2000  }
0x29: {  	[sflag:s16] =	ssyncset.done $0x0  }
0x2a: {  	s30 =	simm.s32 $0x0;
	[sflag:s16] =	ssyncadd.s32 $0xFFFFE000  }
0x2b: {  	s20 =	sand.u32 $0x20000, s30;
	_ =	swait.ge [sflag:s16], $0x2000  }
0x2c: {  	s31 =	simm.s32 $0x10000;
	s20 =	sshrl.u32 s20, $0x2;
	[sflag:s16] =	ssyncset.done $0x0  }
0x2d: {  	s23 =	simm.s32 $0x200;
	s20 =	sor.u32 $0x6400, s20;
	[sflag:s16] =	ssyncadd.s32 $0xFFFFE000  }
0x2e: {  	[hbm4b:s7+s17] =	stream.strided.scatter [tilespmem:s20], [sflag:$0x2], $0x8000, s9, s17, $0x38;
	[tilespmem:$0x16400] =	vst v63  }
0x2f: {  	s21 =	simm.s32 $0x40000;
	s22 =	sand.u32 $0x8000, s31;
	_ =	swait.ge [sflag:s8], $0x8000  }
0x30: {  	s24 =	simm.s32 $0x1000;
	s20 =	sadd.s32 $0x2000, s7;
	[sflag:s8] =	ssyncset.done $0x0  }
.LBB2_2:
0x31: {  	s25 =	sor.u32 $0x6400, s22  }
0x32: {  	s26 =	sadd.s32 $0x200, s23;
	[sflag:s8] =	ssyncadd.s32 $0xFFFF8000;
	s28 =	smov.u32 s24  }
0x33: {  	[tilespmem:s25], [sflag:$0x1] =	stream.indirect.gather [hbm4b:s3+s9], $0x40, s26, s9, $0xb8;
	[tilespmem:$0x16400] =	vst v63  }
0x34: {  	s29 =	sadd.s32 $0x280, s23;
	s25 =	sadd.s32 $0x800, s24;
	s26 =	sadd.s32 $0x8400, s22  }
0x35: {  	[tilespmem:s26], [sflag:$0x1] =	stream.indirect.gather [hbm4b:s3+s9], $0x40, s29, s9, $0xb8;
	[tilespmem:$0x16400] =	vst v63  }
0x36: {  	p0 =	sne.s32 s24, $0x18000;
	s24 =	sadd.s32 $0xA400, s22;
	s26 =	sadd.s32 $0x300, s23  }
0x37: {  	[tilespmem:s24], [sflag:$0x1] =	stream.indirect.gather [hbm4b:s3+s9], $0x40, s26, s9, $0xb8;
	[tilespmem:$0x16400] =	vst v63  }
0x38: {  	s22 =	sadd.s32 $0xC400, s22;
	s23 =	sadd.s32 $0x380, s23  }
0x39: {  	[tilespmem:s22], [sflag:$0x1] =	stream.indirect.gather [hbm4b:s3+s9], $0x40, s23, s9, $0xb8;
	[tilespmem:$0x16400] =	vst v63  }
0x3a: {  	_ =	swait.ge [sflag:s16], $0x2000  }
0x3b: {  	[sflag:s16] =	ssyncset.done $0x0  }
0x3c: {  	[sflag:s16] =	ssyncadd.s32 $0xFFFFE000  }
0x3d: {  	_ =	swait.ge [sflag:s16], $0x2000  }
0x3e: {  	[sflag:s16] =	ssyncset.done $0x0  }
0x3f: {  	[sflag:s16] =	ssyncadd.s32 $0xFFFFE000  }
0x40: {  	_ =	swait.ge [sflag:s16], $0x2000  }
0x41: {  	[sflag:s16] =	ssyncset.done $0x0  }
0x42: {  	s22 =	sadd.s32 $0xFFFE0000, s21;
	[sflag:s16] =	ssyncadd.s32 $0xFFFFE000  }
0x43: {  	s24 =	smov.u32 s25;
	s22 =	sand.u32 $0x20000, s22;
	_ =	swait.ge [sflag:s16], $0x2000  }
.Ltmp0:
0x44: {  	s22 =	sshrl.u32 s22, $0x2;
	[sflag:s16] =	ssyncset.done $0x0;
	(pc) =	sbr.rel @p0 .LBB2_2-.Ltmp0, $4  }
0x45: {  	s21 =	sadd.s32 $0x20000, s21;
	s22 =	sor.u32 $0x6400, s22;
	[sflag:s16] =	ssyncadd.s32 $0xFFFFE000  }
0x46: {  	[hbm4b:s20+s17] =	stream.strided.scatter [tilespmem:s22], [sflag:$0x2], $0x8000, s9, s17, $0x38;
	[tilespmem:$0x16400] =	vst v63  }
0x47: {  	s22 =	sshrl.u32 s21, $0x2;
	s20 =	sadd.s32 $0x2000, s20;
	_ =	swait.ge [sflag:s8], $0x8000  }
0x48: {  	s23 =	sshra.s32 s28, $0x2;
	s22 =	sand.u32 $0x8000, s22;
	[sflag:s8] =	ssyncset.done $0x0  }
0x49: {  	s24 =	sor.u32 $0x6400, s22;
	s25 =	sadd.s32 $0x200, s23;
	[sflag:s8] =	ssyncadd.s32 $0xFFFF8000  }
0x4a: {  	[tilespmem:s24], [sflag:$0x1] =	stream.indirect.gather [hbm4b:s3+s9], $0x40, s25, s9, $0xb8;
	[tilespmem:$0x16400] =	vst v63  }
0x4b: {  	s26 =	sadd.s32 $0x280, s23;
	s25 =	sadd.s32 $0x8400, s22  }
0x4c: {  	[tilespmem:s25], [sflag:$0x1] =	stream.indirect.gather [hbm4b:s3+s9], $0x40, s26, s9, $0xb8;
	[tilespmem:$0x16400] =	vst v63  }
0x4d: {  	s28 =	sadd.s32 $0xA400, s22;
	s29 =	sadd.s32 $0x300, s23  }
0x4e: {  	[tilespmem:s28], [sflag:$0x1] =	stream.indirect.gather [hbm4b:s3+s9], $0x40, s29, s9, $0xb8;
	[tilespmem:$0x16400] =	vst v63  }
0x4f: {  	s30 =	sadd.s32 $0xC400, s22;
	s31 =	sadd.s32 $0x380, s23  }
0x50: {  	[tilespmem:s30], [sflag:$0x1] =	stream.indirect.gather [hbm4b:s3+s9], $0x40, s31, s9, $0xb8;
	[tilespmem:$0x16400] =	vst v63  }
0x51: {  	_ =	swait.ge [sflag:s16], $0x2000  }
0x52: {  	[sflag:s16] =	ssyncset.done $0x0  }
0x53: {  	[sflag:s16] =	ssyncadd.s32 $0xFFFFE000  }
0x54: {  	_ =	swait.ge [sflag:s16], $0x2000  }
0x55: {  	[sflag:s16] =	ssyncset.done $0x0  }
0x56: {  	[sflag:s16] =	ssyncadd.s32 $0xFFFFE000  }
0x57: {  	_ =	swait.ge [sflag:s16], $0x2000  }
0x58: {  	[sflag:s16] =	ssyncset.done $0x0  }
0x59: {  	s21 =	sadd.s32 $0xFFFE0000, s21;
	[sflag:s16] =	ssyncadd.s32 $0xFFFFE000  }
0x5a: {  	s21 =	sand.u32 $0x20000, s21;
	_ =	swait.ge [sflag:s16], $0x2000  }
0x5b: {  	s21 =	sshrl.u32 s21, $0x2;
	[sflag:s16] =	ssyncset.done $0x0  }
0x5c: {  	s21 =	sor.u32 $0x6400, s21;
	[sflag:s16] =	ssyncadd.s32 $0xFFFFE000  }
0x5d: {  	[hbm4b:s20+s17] =	stream.strided.scatter [tilespmem:s21], [sflag:$0x2], $0x8000, s9, s17, $0x38;
	[tilespmem:$0x16400] =	vst v63  }
0x5e: {  	_ =	swait.ge [sflag:s8], $0x8000  }
0x5f: {  	[sflag:s8] =	ssyncset.done $0x0  }
0x60: {  	[sflag:s8] =	ssyncadd.s32 $0xFFFF8000  }
0x61: {  	_ =	swait.ge [sflag:s16], $0x2000  }
0x62: {  	[sflag:s16] =	ssyncset.done $0x0  }
0x63: {  	[sflag:s16] =	ssyncadd.s32 $0xFFFFE000  }
0x64: {  	_ =	swait.ge [sflag:s16], $0x2000  }
0x65: {  	[sflag:s16] =	ssyncset.done $0x0  }
0x66: {  	[sflag:s16] =	ssyncadd.s32 $0xFFFFE000  }
0x67: {  	_ =	swait.ge [sflag:s16], $0x2000  }
0x68: {  	[sflag:s16] =	ssyncset.done $0x0  }
0x69: {  	[sflag:s16] =	ssyncadd.s32 $0xFFFFE000  }
0x6a: {  	s19 =	sadd.s32 $0x1, s19;
	_ =	swait.ge [sflag:s16], $0x2000  }
0x6b: {  	p0 =	sne.s32 s19, s5;
	[sflag:s16] =	ssyncset.done $0x0  }
.Ltmp1:
0x6c: {  	[sflag:s16] =	ssyncadd.s32 $0xFFFFE000;
	(pc) =	sbr.rel @p0 .LBB2_1-.Ltmp1, $4  }
0x6d: {  	[hbm4b:s6+s17] =	stream.strided.scatter [tilespmem:s18], [sflag:$0x2], $0x8000, s9, s17, $0x38;
	[tilespmem:$0x16400] =	vst v63  }
0x6e: {  	_ =	swait.ge [sflag:s8], $0x8000  }
0x6f: {  	[sflag:s8] =	ssyncset.done $0x0  }
0x70: {  	[sflag:s8] =	ssyncadd.s32 $0xFFFF8000  }
0x71: {  	_ =	sfence.sel $0x180000  }
0x72: {  	[bflag:$0x0] =	sbarrier.arrive $0xFFFF  }
0x73: {  	p0 =	sne.s32 s0, $0x0;
	_ =	strace $0x90000047  }
0x74: {  	s0 =	sadd.s32 @!p0 $0x100000, s1;
	[bflag:$0x2] =	sbarrier.arrive $0xFFFF  }
0x75: {  	[sflag:s0] =	ssyncadd.tile.s32 @!p0 $0x1;
	_ =	shalt  }
.Lfunc_end2:
_tile_overlayer_lowered:
.L_overlay_start_2:
0x76: {  	(tag) =	ssettag $0x2  }
0x77: {  	s0 =	rddreg [dreg:$0x0];
	s2 =	stileid.u32  }
0x78: {  	s1 =	rddreg [dreg:$0x1];
	p0 =	sne.s32 s2, $0x0  }
0x79: {  	s3 =	rddreg [dreg:$0x2];
	[bflag:$0x3] =	sbarrier.arrive $0xFFFF;
	s2 =	simm.s32 @!p0 $0x1C02  }
0x7a: {  	[timem:s3], [sflag:s2] =	dma.local @!p0 [hbm:s0], s1  }
0x7b: {  	s0 =	simm.s32 @!p0 $0x2  }
0x7c: {  	_ =	swait.ge @!p0 [sflag:s0], s1  }
0x7d: {  	s1 =	ssub.s32 @!p0 $0x0, s1;
	[sflag:s0] =	ssyncset.done @!p0 $0x0  }
0x7e: {  	[sflag:s0] =	ssyncadd.s32 @!p0 s1  }
0x7f: {  	[bflag:$0x3] =	sbarrier.arrive $0xFFFF  }
0x80: {  	_ =	shalt  }

// kernel: sparse-core-data-format-call.cloned.1.call-start
scs
called_computation_lowered:
.L_overlay_start_0:
0x0: {  	s2 =	sld [smem:$0x3FD9]  }
0x1: {  	s3 =	sld [smem:$0x3FFE];
	_ =	sdelay $0x1  }
0x2: {  	s1 =	srdreg.scid  }
0x3: {  	s0 =	sand.u32 $0x1, s1  }
0x4: {  	s15 =	sshll.u32 s0, $0xA;
	s2 =	sadd.s32 s3, s2  }
0x5: {  	s2 =	sadd.s32 s2, s15  }
0x6: {  	[smem:$0x3FC6] =	sst s2  }
0x7: {  	_ = 	snop  }
0x8: {  	s2 =	sld [smem:$0x3FD0];
	_ =	sdelay $0x2  }
0x9: {  	s16 =	simm.s32 $0xA;
	s4 =	simm.s32 $0x10  }
0xa: {  	[smem:s4], [sflag:s16] =	dma.local [hbm:s2], $0x1  }
0xb: {  	_ =	swait.eq [sflag:s16], $0x1  }
0xc: {  	[sflag:s16] =	ssyncset.done $0x0  }
0xd: {  	[sflag:s16] =	ssyncadd.s32 $0xFFFFFFFF  }
0xe: {  	s17 =	sld [smem:$0x10];
	(tm) =	ssettm $0x1  }
0xf: {  	s18 =	sld [smem:$0x3FFB];
	_ =	sdelay $0x3  }
0x10: {  	_ =	strace s18  }
0x11: {  	s3 =	sld [smem:$0x3FFC];
	_ =	sdelay $0x3  }
0x12: {  	_ =	strace s3  }
0x13: {  	s3 =	sld [smem:$0x3FFD];
	_ =	sdelay $0x3  }
0x14: {  	_ =	strace s3  }
0x15: {  	_ =	strace $0x8FFFFFFF  }
0x16: {  	s19 =	sld [smem:$0x3FDB];
	_ =	sdelay $0x1  }
0x17: {  	s20 =	simm.s32 $_scs_section_size  }
0x18: {  	s5 =	simm.s32 $_size__tile_overlayer_lowered;
	s6 =	simm.s32 $_tile_overlayer_lowered  }
0x19: {  	s23 =	simm.s32 $0x1BFF;
	s22 =	sshll.u32 s6, $0x1;
	s3 =	sadd.s32 s20, s19  }
0x1a: {  	s7 =	simm.s32 $0x0;
	s21 =	sshll.u32 s5, $0x1;
	s5 =	sadd.s32 s22, s3  }
0x1b: {  	[timem:s7], [sflag:s23] =	dma.local [hbm:s5], s21  }
0x1c: {  	_ =	swait.ge [sflag:s23], s21  }
0x1d: {  	s4 =	ssub.s32 $0x0, s21;
	[sflag:s23] =	ssyncset.done $0x0  }
0x1e: {  	[sflag:s23] =	ssyncadd.s32 s4;
	_ =	sdelay $0x1  }
0x1f: {  	s24 =	simm.s32 $0x1B8B  }
0x20: {  	_ =	swait.ge [sflag:s24], $0x1  }
0x21: {  	[sflag:s24] =	ssyncset.done $0x0  }
0x22: {  	s26 =	simm.s32 $0x1B8E;
	s25 =	sld [smem:$0x3FFE];
	[sflag:s24] =	ssyncadd.s32 $0xFFFFFFFF  }
0x23: {  	s27 =	simm.s32 $execute0_lowered;
	[smem:$0x3FD2] =	sst s26  }
0x24: {  	s5 =	sshll.u32 s27, $0x1;
	_ =	strace $0x80000049;
	[dreg:$0x1] =	wrdreg $0xFFFFFFFF  }
0x25: {  	s28 =	simm.s32 $_size_execute0_lowered;
	s3 =	sadd.s32 s3, s5;
	[dreg:$0x0] =	wrdreg $0x0  }
0x26: {  	s5 =	sshll.u32 s28, $0x1;
	[dreg:$0x2] =	wrdreg s3  }
0x27: {  	[dreg:$0x3] =	wrdreg s5  }
0x28: {  	[dreg:$0x4] =	wrdreg $0xC0  }
0x29: {  	_ =	task [dreg:s7], $0x5FFFF  }
0x2a: {  	[dreg:$0x1] =	wrdreg $0xFFFFFFFF  }
0x2b: {  	[dreg:$0x0] =	wrdreg $0x60  }
0x2c: {  	[dreg:$0x2] =	wrdreg s25  }
0x2d: {  	[dreg:$0x3] =	wrdreg s17  }
0x2e: {  	[dreg:$0x4] =	wrdreg $0x9  }
0x2f: {  	_ =	task.clear_ibuf [dreg:s7], $0x5FFFF;
	_ =	strace $0x90000049  }
0x30: {  	s29 =	simm.s32 $0x9;
	_ =	strace $0x8000004B  }
0x31: {  	_ =	swait.ge [sflag:s29], $0x1  }
0x32: {  	[sflag:s29] =	ssyncadd.s32 $0xFFFFFFFF  }
0x33: {  	_ =	strace $0x9000004B  }
0x34: {  	_ =	sfence  }
0x35: {  	s30 =	sld [smem:$0x0];
	_ =	sdelay $0x2  }
0x36: {  	s31 =	sshll.u32 s1, $0xD;
	s1 =	sshrl.u32 s1, $0x2  }
0x37: {  	s3 =	sand.u32 $0x4000, s31;
	s1 =	sadd.s32 s1, s30  }
0x38: {  	s0 =	sor.u32 s3, s0;
	s1 =	sshll.u32 s1, $0x11  }
0x39: {  	s0 =	sor.u32 s1, s0  }
0x3a: {  	s0 =	sadd.s32 $0x8F2B, s0  }
0x3b: {  	[sflag:s0] =	ssyncadd.remote.s32 $0x1  }
0x3c: {  	_ =	sfence.sel $0xFFFF  }
0x3d: {  	[dreg:$0x0] =	wrdreg $0xFFFFFFFF;
	(pc) =	sbr.abs _section_cstart, $3  }
0x3e: {  	[dreg:$0x1] =	wrdreg $0xFFFFFFFF  }
0x3f: {  	_ =	task.clear_ibuf [dreg:s7], $0x2FFFF;
	_ =	strace $0x9FFFFFFF  }
0x40: {  	(tm) =	ssettm $0x7FFFFFFF  }
0x41: {  	_ =	shalt  }
tec
execute0_lowered:
.L_overlay_start_1:
0x0: {  	(tag) =	ssettag $0x1  }
0x1: {  	s0 =	srdreg.scid  }
0x2: {  	s1 =	sshll.u32 s0, $0x4  }
0x3: {  	s0 =	stileid.u32;
	s1 =	sand.u32 $0x10, s1  }
0x4: {  	s1 =	sor.u32 s0, s1  }
0x5: {  	s6 =	rddreg [dreg:$0x0];
	s4 =	simm.s32 $0x1;
	s2 =	sshll.u32 s1, $0x7  }
0x6: {  	s7 =	simm.s32 $0x2;
	s12 =	simm.s32 $0x0;
	s1 =	ssub.s32 $0x1000, s2  }
0x7: {  	s8 =	simm.s32 $0x8000;
	s13 =	simm.s32 $0x0;
	s3 =	sand.u32 $0xF80, s1  }
0x8: {  	s9 =	simm.s32 $0x0;
	s5 =	sshrl.u32 s1, $0xC;
	p0 =	sne.s32 s3, $0x0  }
.Ltmp0:
0x9: {  	s1 =	rddreg [dreg:$0x2];
	s4 =	simm.s32 @!p0 $0x0;
	(pc) =	sbr.rel .LBB1_1-.Ltmp0, $4  }
0xa: {  	s11 =	simm.s32 $0x0;
	s3 =	rddreg [dreg:$0x1];
	s5 =	sadd.s32 s4, s5  }
0xb: {  	_ =	strace $0x8000004A;
	s4 =	simm.s32 $0x1;
	s5 =	smul.u32 $0xC8, s5  }
0xc: {  	s6 =	sadd.s32 $0xF42C00, s6;
	s10 =	smov.u32 s2;
	[sflag:s4] =	ssyncpa.u1 $0x0  }
0xd: {  	p0 =	por $0x0, $0x0;
	[sflag:s7] =	ssyncpa.u1 $0x0;
	s7 =	sor.u32 $0x1, s5  }
.LBB1_4:
0xe: {  	s16 =	sshll.u32 s13, $0x3;
	s17 =	sand.u32 $0x78, s13  }
0xf: {  	s30 =	sand.u32 $0x7E00, s13;
	s12 =	sshll.u32 s12, $0xF;
	s16 =	sand.u32 $0xC00, s16  }
0x10: {  	[tilespmem:s15+$0x810 ss:$0x81] =	vst.msk $0xffff, v2;
	s31 =	sand.u32 $0x7, s13;
	s16 =	sor.u32 s17, s16;
	s17 =	sadd.s32 s3, s30  }
0x11: {  	[tilespmem:s15+$0x1020 ss:$0x81] =	vst.msk $0xffff, v0;
	s13 =	sshll.u32 s31, $0x12;
	s12 =	sadd.s32 s12, s17;
	s16 =	sshrl.u32 s16, $0x3  }
0x12: {  	[tilespmem:s15+$0x0 ss:$0x81] =	vst.msk $0xffff, v1;
	s13 =	sor.u32 $0x400, s13;
	s12 =	sadd.s32 s16, s12  }
0x13: {  	[hbm4b:s12+s13] =	stream.strided.scatter [tilespmem:s14], [sflag:$0x2], $0x2000, s8, s13, $0x20;
	[tilespmem:$0x8080] =	vst v63  }
.LBB1_5:
0x14: {  	s14 =	sadd.s32 $0x1, s9  }
0x15: {  	s12 =	sadd.s32 $0x1000, s10;
	s16 =	smov.u32 s10;
	p2 =	sgt.s32 s14, $0xC7  }
0x16: {  	s16 =	smov.u32 @p2 s12  }
0x17: {  	s14 =	simm.s32 @p2 $0x0;
	p2 =	sgt.s32 s16, $0xFFF  }
0x18: {  	s16 =	smov.u32 @p2 s2;
	p2 =	sne.s32 s11, s7  }
.Ltmp1:
0x19: {  	p1 =	slt.u32 s11, $0x2;
	(pc) =	sbr.rel @!p2 .LBB1_6-.Ltmp1, $4  }
0x1a: {  	s15 =	simm.s32 @!p1 $0x2  }
0x1b: {  	s13 =	smov.u32 s10;
	p0 =	por !p0, !p0;
	_ =	swait.ge @!p1 [sflag:s15], $0x2000  }
0x1c: {  	s12 =	smov.u32 s9;
	[sflag:s15] =	ssyncset.done @!p1 $0x0;
	s9 =	smov.u32 s14  }
0x1d: {  	s11 =	sadd.s32 $0x1, s11;
	[sflag:s15] =	ssyncadd.s32 @!p1 $0xFFFFE000;
	s10 =	smov.u32 s16  }
.LBB1_1:
0x1e: {  	p1 =	sge.u32 s11, s5  }
0x1f: {  	s14 =	sand.u32 @!p1 $0x1FFFFFF, s9  }
0x20: {  	s15 =	smulhi.u32 @!p1 $0x147AE15, s14;
	_ =	sdelay $0x1  }
0x21: {  	s15 =	smul.u32 @!p1 $0xC8, s15  }
0x22: {  	s16 =	sxor.u32 @!p1 $0xFFFFFFFF, s11;
	s17 =	smul.u32 @!p1 $0xC80, s10  }
0x23: {  	s31 =	sadd.s32 $0xFFFFFFFF, s11;
	s16 =	sshll.u32 @!p1 s16, $0xD;
	s14 =	ssub.s32 @!p1 s14, s15  }
0x24: {  	s15 =	sand.u32 @!p1 $0x2000, s16;
	s16 =	sadd.s32 @!p1 s6, s17;
	s14 =	sshll.u32 @!p1 s14, $0x4  }
0x25: {  	s17 =	simm.s32 @!p1 $0x6400;
	s14 =	sadd.s32 @!p1 s14, s16;
	s16 =	simm.s32 @!p1 $0x40  }
0x26: {  	[tilespmem:s15], [sflag:$0x1] =	stream.strided.gather @!p1 [hbm4b:s14+s16], $0x2000, s17, s16, $0x38;
	[tilespmem:$0x8080] =	vst v63  }
0x27: {  	p1 =	sge.u32 s31, s5  }
.Ltmp2:
0x28: {  	_ = 	snop;
	(pc) =	sbr.rel @p1 .LBB1_5-.Ltmp2, $1  }
0x29: {  	_ =	sdelay $0x3  }
0x2a: {  	s14 =	simm.s32 $0x1  }
0x2b: {  	_ =	swait.ge [sflag:s4], $0x2000;
	s14 =	simm.s32 @!p0 $0x0  }
0x2c: {  	[sflag:s4] =	ssyncset.done $0x0;
	s15 =	sshll.u32 s14, $0xD  }
0x2d: {  	[sflag:s4] =	ssyncadd.s32 $0xFFFFE000;
	s18 =	sor.u32 $0x20, s15  }
0x2e: {  	s14 =	smul.u32 $0x8100, s14;
	v3 =	vld [tilespmem:s18+$0x10]  }
0x2f: {  	s30 =	sand.u32 $0x1, s11;
	v2 =	vld [tilespmem:s18+$0xFFFFFFF0]  }
0x30: {  	s15 =	smul.u32 $0x8100, s30;
	s14 =	sshrl.u32 s14, $0x2;
	v0 =	vld [tilespmem:s18+$0x0]  }
0x31: {  	v1 =	vld [tilespmem:s18+$0xFFFFFFE0];
	s16 =	sor.u32 $0x4000, s14  }
0x32: {  	s31 =	sshrl.u32 s15, $0x2;
	s15 =	sadd.s32 $0x0, s16  }
0x33: {  	s17 =	simm.s32 $0x4;
	s18 =	sadd.s32 $0x40, s18;
	s14 =	sor.u32 $0x4000, s31;
	[tilespmem:s15+$0x1830 ss:$0x81] =	vst.msk $0xffff, v3  }
.LBB1_3:
0x34: {  	v3 =	vld [tilespmem:s18+$0x10];
	p1 =	sne.s32 s17, $0x1FC;
	[tilespmem:s15+$0x810 ss:$0x81] =	vst.msk $0xffff, v2;
	s19 =	smov.u32 s17;
	s17 =	sadd.s32 $0x4, s17  }
.Ltmp3:
0x35: {  	v2 =	vld [tilespmem:s18+$0xFFFFFFF0];
	[tilespmem:s15+$0x1020 ss:$0x81] =	vst.msk $0xffff, v0;
	(pc) =	sbr.rel @p1 .LBB1_3-.Ltmp3, $4  }
0x36: {  	v0 =	vld [tilespmem:s18+$0x0];
	[tilespmem:s15+$0x0 ss:$0x81] =	vst.msk $0xffff, v1  }
0x37: {  	s15 =	sshra.s32 s19, $0x2;
	v1 =	vld [tilespmem:s18+$0xFFFFFFE0]  }
0x38: {  	s15 =	sadd.s32 s15, s16  }
0x39: {  	s18 =	sadd.s32 $0x40, s18;
	[tilespmem:s15+$0x1830 ss:$0x81] =	vst.msk $0xffff, v3  }
.Ltmp4:
0x3a: {  	_ = 	snop;
	(pc) =	sbr.rel .LBB1_4-.Ltmp4, $1  }
0x3b: {  	_ =	sdelay $0x3  }
.LBB1_6:
0x3c: {  	_ =	sfence.sel $0x180000  }
0x3d: {  	s2 =	simm.s32 $0x1;
	[bflag:$0x0] =	sbarrier.arrive $0xFFFF  }
0x3e: {  	s31 =	simm.s32 $0x2;
	[sflag:s2] =	ssyncpa.u1 $0x1  }
0x3f: {  	[sflag:s31] =	ssyncpa.u1 $0x1  }
0x40: {  	p0 =	sne.s32 s0, $0x0;
	_ =	strace $0x9000004A  }
0x41: {  	s0 =	sadd.s32 @!p0 $0x100000, s1;
	[bflag:$0x2] =	sbarrier.arrive $0xFFFF  }
0x42: {  	[sflag:s0] =	ssyncadd.tile.s32 @!p0 $0x1;
	_ =	shalt  }
.Lfunc_end1:
_tile_overlayer_lowered:
.L_overlay_start_2:
0x43: {  	(tag) =	ssettag $0x2  }
0x44: {  	s0 =	rddreg [dreg:$0x0];
	s2 =	stileid.u32  }
0x45: {  	s1 =	rddreg [dreg:$0x1];
	p0 =	sne.s32 s2, $0x0  }
0x46: {  	s3 =	rddreg [dreg:$0x2];
	[bflag:$0x3] =	sbarrier.arrive $0xFFFF;
	s2 =	simm.s32 @!p0 $0x1C01  }
0x47: {  	[timem:s3], [sflag:s2] =	dma.local @!p0 [hbm:s0], s1  }
0x48: {  	s0 =	simm.s32 @!p0 $0x1  }
0x49: {  	_ =	swait.ge @!p0 [sflag:s0], s1  }
0x4a: {  	s1 =	ssub.s32 @!p0 $0x0, s1;
	[sflag:s0] =	ssyncset.done @!p0 $0x0  }
0x4b: {  	[sflag:s0] =	ssyncadd.s32 @!p0 s1  }
0x4c: {  	[bflag:$0x3] =	sbarrier.arrive $0xFFFF  }
0x4d: {  	_ =	shalt  }

</sc_bundles>
